<compile_context>
chip_gen: v7x
topology: tpu7x:2x2x1
jax: 0.10.2.dev20260603
libtpu: 0.0.44.dev20260713+nightly
codegen_flags: <defaults>
</compile_context>

<pallas_src>
import functools

import jax
import jax.numpy as jnp
from jax import lax
from jax.experimental import pallas as pl
from jax.experimental.pallas import tpu as pltpu
from jax.experimental.pallas import tpu_sc as plsc

NC, NS = 2, 16
NW = NC * NS
CHUNK = 128
NSLICES = 5
ROWS_BLK = 16384


@functools.partial(jax.jit, static_argnums=(2, 3, 4))
def _sc_gather(labels3, emb_table, n_chunks, n_rows, emb_d):
    mesh = plsc.VectorSubcoreMesh(
        core_axis_name="c", subcore_axis_name="s",
        num_cores=NC, num_subcores=NS,
    )
    L = 8
    G = 4
    assert n_chunks > L
    pack = 128 // emb_d
    assert n_chunks % pack == 0
    lines_w = n_chunks * CHUNK // pack

    @functools.partial(
        pl.kernel,
        out_type=jax.ShapeDtypeStruct(
            (NW * lines_w, pack * emb_d), jnp.float32),
        mesh=mesh,
        scratch_types=[
            pltpu.VMEM((n_chunks, CHUNK), jnp.int32),
            pltpu.VMEM((L, CHUNK, emb_d), jnp.float32),
            pltpu.SemaphoreType.DMA((L,)),
            pltpu.SemaphoreType.DMA((L,)),
        ],
        compiler_params=pltpu.CompilerParams(use_tc_tiling_on_sc=False),
    )
    def gather_kernel(labels_hbm, table2d, out_hbm, idx_v, rows_v, gsem, wsem):
        wid = lax.axis_index("c") * NS + lax.axis_index("s")
        base = wid * lines_w
        pltpu.sync_copy(labels_hbm.at[wid], idx_v)

        for k in range(G):
            pltpu.async_copy(
                table2d.at[idx_v.at[k]], rows_v.at[k % L], gsem.at[k % L])

        def body(j, carry):
            slot = lax.rem(j, L)
            pltpu.make_async_copy(
                table2d.at[idx_v.at[j]], rows_v.at[slot], gsem.at[slot]).wait()
            line0 = base + lax.div(j, pack) * CHUNK
            lane0 = lax.rem(j, pack) * emb_d
            dst = out_hbm.at[pl.ds(line0, CHUNK), pl.ds(lane0, emb_d)]
            pltpu.async_copy(rows_v.at[slot], dst, wsem.at[slot])

            nslot = lax.rem(j + G, L)

            @pl.when(j + G < n_chunks)
            def _issue_next():
                @pl.when(j + G >= L)
                def _drain_write():
                    pltpu.make_async_copy(
                        rows_v.at[nslot],
                        out_hbm.at[pl.ds(base, CHUNK),
                                   pl.ds(0, emb_d)],
                        wsem.at[nslot]).wait()

                pltpu.async_copy(
                    table2d.at[idx_v.at[j + G]], rows_v.at[nslot],
                    gsem.at[nslot])

            return carry

        lax.fori_loop(0, n_chunks, body, 0)

        for j in range(max(0, n_chunks - L), n_chunks):
            pltpu.make_async_copy(
                rows_v.at[j % L],
                out_hbm.at[pl.ds(base, CHUNK), pl.ds(0, emb_d)],
                wsem.at[j % L]).wait()

    return gather_kernel(labels3, emb_table)


def _mm_first_body(v_ref, e4_ref, wv_ref, we_ref, b_ref, o_ref):
    R = v_ref.shape[0]
    ED = we_ref.shape[0]
    e4 = e4_ref[...]
    pack = e4.shape[1] // ED
    n_sub = R // (pack * CHUNK)
    cs = [
        jnp.dot(e4[:, k * ED:(k + 1) * ED], we_ref[...],
                preferred_element_type=jnp.float32)
        for k in range(pack)
    ]
    pieces = [
        cs[k][sb * CHUNK:(sb + 1) * CHUNK]
        for sb in range(n_sub)
        for k in range(pack)
    ]
    e_contrib = jnp.concatenate(pieces, axis=0)
    acc = jnp.dot(v_ref[...], wv_ref[...], preferred_element_type=jnp.float32)
    o_ref[...] = acc + e_contrib + b_ref[...]


def _mm_chain_body(prev_ref, v_ref, e4_ref, wv_ref, we_ref, b_ref, o_ref):
    del prev_ref
    _mm_first_body(v_ref, e4_ref, wv_ref, we_ref, b_ref, o_ref)


@functools.partial(jax.jit, static_argnums=(6, 7))
def _tc_project_slice(prev, values_flat, emb4_s, Wv, We, b2, s, n_total):
    Q4, W128 = emb4_s.shape
    pack = W128 // We.shape[0]
    Q = Q4 * pack
    VD = values_flat.shape[1]
    ED = We.shape[0]
    LD = Wv.shape[1]
    R = ROWS_BLK
    blk_off = s * (Q // R)
    grid = (Q // R,)

    common_in_specs = [
        pl.BlockSpec((R, VD), lambda i: (blk_off + i, 0)),
        pl.BlockSpec((R // pack, W128), lambda i: (i, 0)),
        pl.BlockSpec((VD, LD), lambda i: (0, 0)),
        pl.BlockSpec((ED, LD), lambda i: (0, 0)),
        pl.BlockSpec((1, LD), lambda i: (0, 0)),
    ]
    out_spec = pl.BlockSpec((R, LD), lambda i: (blk_off + i, 0))
    out_shape = jax.ShapeDtypeStruct((n_total, LD), jnp.float32)

    if prev is None:
        return pl.pallas_call(
            _mm_first_body,
            grid=grid,
            in_specs=common_in_specs,
            out_specs=out_spec,
            out_shape=out_shape,
        )(values_flat, emb4_s, Wv, We, b2)
    return pl.pallas_call(
        _mm_chain_body,
        grid=grid,
        in_specs=[pl.BlockSpec(memory_space=pl.ANY)] + common_in_specs,
        out_specs=out_spec,
        out_shape=out_shape,
        input_output_aliases={0: 0},
    )(prev, values_flat, emb4_s, Wv, We, b2)


def kernel(values, labels, emb_table, W, b):
    B, T, VD = values.shape
    ED = emb_table.shape[1]
    LD = W.shape[1]
    N = B * T
    Q = N // NSLICES

    labels_flat = labels.reshape(N).astype(jnp.int32)
    values_flat = values.reshape(N, VD)
    Wv = W[:VD]
    We = W[VD:VD + ED]
    b2 = b.reshape(1, LD)

    n_chunks = Q // (NW * CHUNK)
    embs = []
    for s in range(NSLICES):
        labels3 = lax.dynamic_slice_in_dim(labels_flat, s * Q, Q).reshape(
            NW, n_chunks, CHUNK)
        embs.append(_sc_gather(labels3, emb_table, n_chunks,
                               emb_table.shape[0], ED))

    out = None
    for s in range(NSLICES):
        out = _tc_project_slice(out, values_flat, embs[s], Wv, We, b2, s, N)
    return out.reshape(B, T, LD)

# --- scband reference (transcript-rebuilt; emitter-appended) ---
"""Pipeline reference for scband-embedding-79628693667887 (READ-ONLY COPY).

The authoritative reference and input builder live on the scoring server;
editing this copy changes nothing except your own understanding.
"""

import jax, jax.numpy as jnp
import numpy as np

BATCH = 4096
N_TOKENS = 200
VALUE_DIM = 16
N_LABELS = 100000
LABEL_DIM = 32
LATENT_DIM = 128
IN_DIM = VALUE_DIM + LABEL_DIM + 1  # functional_inputs_dim = 0


def setup_inputs(seed: int = 0) -> dict:
    key = jax.random.key(seed)
    k1, k2, k3, k4 = jax.random.split(key, 4)
    values = jax.random.normal(k1, (BATCH, N_TOKENS, VALUE_DIM), dtype=jnp.float32)
    labels = jax.random.randint(k2, (BATCH, N_TOKENS), 0, N_LABELS)
    emb_table = jax.random.normal(k3, (N_LABELS, LABEL_DIM), dtype=jnp.float32) * 0.02
    W = jax.random.normal(k4, (IN_DIM, LATENT_DIM), dtype=jnp.float32) * (1.0 / np.sqrt(IN_DIM))
    b = jnp.zeros((LATENT_DIM,), dtype=jnp.float32)
    return {"values": values, "labels": labels, "emb_table": emb_table, "W": W, "b": b}


def reference(values, labels, emb_table, W, b):
    # labels_emb = self.embedding(labels)
    labels_emb = jnp.take(emb_table, labels, axis=0)
    sample_shape = values.shape[:-2]
    n_tokens = values.shape[-2]
    # time channel: zeros broadcast to (*sample_shape, n_tokens, 1)
    time = jnp.zeros(sample_shape, dtype=values.dtype)
    time_expanded = jnp.reshape(time, sample_shape + (1, 1))
    time_expanded = jnp.broadcast_to(time_expanded, sample_shape + (n_tokens, 1))
    parts = [values, labels_emb, time_expanded]
    x = jnp.concatenate(parts, axis=-1)
    # linear projection to latent dim
    return jnp.dot(x, W) + b

if __name__ == "__main__":
    import jax
    _d = setup_inputs()
    print(jax.jit(kernel)(*tuple(_d.values())))

</pallas_src>

<mosaic_0001>
#map = affine_map<(d0, d1) -> (0, 0, 0)>
#map1 = affine_map<(d0, d1) -> (0, 0)>
module attributes {stable_mosaic.version = 14 : i64} {
  func.func @gather_kernel(%arg0: i32, %arg1: i32, %arg2: memref<32x40x128xi32, #tpu.memory_space<hbm>>, %arg3: memref<100000x32xf32, #tpu.memory_space<hbm>>, %arg4: memref<40960x128xf32, #tpu.memory_space<hbm>>, %arg5: memref<40x128xi32, #tpu.memory_space<vmem>>, %arg6: memref<8x128x32xf32, #tpu.memory_space<vmem>>, %arg7: memref<8x!tpu.dma_semaphore, #tpu.memory_space<semaphore_mem>>, %arg8: memref<8x!tpu.dma_semaphore, #tpu.memory_space<semaphore_mem>>) attributes {dimension_semantics = [#tpu.dimension_semantics<core_parallel>, #tpu.dimension_semantics<subcore_parallel>], iteration_bounds = array<i64: 2, 16>, scalar_prefetch = 0 : i64, scratch_operands = 4 : i64, tpu.core_type = #tpu.core_type<sc_vector_subcore>, window_params = [{transform_indices = #map}, {transform_indices = #map1}, {transform_indices = #map1}]} {
    %mul3A = arith.constant 16 : i32
    %mul3A_0 = arith.muli %arg0, %mul3A : i32
    %add3A = arith.addi %mul3A_0, %arg1 : i32
    %mul3A_1 = arith.constant 1280 : i32
    %mul3A_2 = arith.muli %add3A, %mul3A_1 : i32
    "tpu.region"() ({
      %run_scoped3A = tpu.sem_alloc : memref<!tpu.dma_semaphore, #tpu.memory_space<semaphore_mem>>
      %dma_start3A_194 = arith.constant 0 : i32
      %dma_start3A_195 = arith.constant 0 : i32
      %dma_start3A_196 = tpu.memref_slice %arg2[%add3A, %dma_start3A_194, %dma_start3A_195] : memref<32x40x128xi32, #tpu.memory_space<hbm>> -> memref<1x40x128xi32, #tpu.memory_space<hbm>>
      %dma_start3A_197 = tpu.memref_squeeze %dma_start3A_196 : memref<1x40x128xi32, #tpu.memory_space<hbm>> -> memref<40x128xi32, #tpu.memory_space<hbm>>
      %dma_start3A_198 = arith.constant 0 : i32
      %dma_start3A_199 = arith.constant 0 : i32
      %dma_start3A_200 = tpu.memref_slice %arg2[%add3A, %dma_start3A_198, %dma_start3A_199] : memref<32x40x128xi32, #tpu.memory_space<hbm>> -> memref<1x40x128xi32, #tpu.memory_space<hbm>>
      %dma_start3A_201 = tpu.memref_squeeze %dma_start3A_200 : memref<1x40x128xi32, #tpu.memory_space<hbm>> -> memref<40x128xi32, #tpu.memory_space<hbm>>
      tpu.enqueue_dma source(%dma_start3A_201 : memref<40x128xi32, #tpu.memory_space<hbm>>) target(%arg5 : memref<40x128xi32, #tpu.memory_space<vmem>>) target_semaphore(%run_scoped3A : memref<!tpu.dma_semaphore, #tpu.memory_space<semaphore_mem>>)
      %dma_wait3A_202 = arith.constant 0 : i32
      %dma_wait3A_203 = arith.constant 0 : i32
      %dma_wait3A_204 = tpu.memref_slice %arg2[%add3A, %dma_wait3A_202, %dma_wait3A_203] : memref<32x40x128xi32, #tpu.memory_space<hbm>> -> memref<1x40x128xi32, #tpu.memory_space<hbm>>
      %dma_wait3A_205 = tpu.memref_squeeze %dma_wait3A_204 : memref<1x40x128xi32, #tpu.memory_space<hbm>> -> memref<40x128xi32, #tpu.memory_space<hbm>>
      %dma_wait3A_206 = arith.constant 0 : i32
      %dma_wait3A_207 = arith.constant 0 : i32
      %dma_wait3A_208 = tpu.memref_slice %arg2[%add3A, %dma_wait3A_206, %dma_wait3A_207] : memref<32x40x128xi32, #tpu.memory_space<hbm>> -> memref<1x40x128xi32, #tpu.memory_space<hbm>>
      %dma_wait3A_209 = tpu.memref_squeeze %dma_wait3A_208 : memref<1x40x128xi32, #tpu.memory_space<hbm>> -> memref<40x128xi32, #tpu.memory_space<hbm>>
      tpu.wait_dma2 semaphore(%run_scoped3A : memref<!tpu.dma_semaphore, #tpu.memory_space<semaphore_mem>>) src(%dma_wait3A_209 : memref<40x128xi32, #tpu.memory_space<hbm>>) dst(%arg5 : memref<40x128xi32, #tpu.memory_space<vmem>>)
      tpu.yield
    }) : () -> ()
    %dma_start3A = arith.constant 0 : i32
    %dma_start3A_3 = arith.constant 0 : i32
    %dma_start3A_4 = arith.constant 0 : i32
    %dma_start3A_5 = arith.constant 0 : i32
    %dma_start3A_6 = arith.constant 0 : i32
    %dma_start3A_7 = tpu.memref_slice %arg6[%dma_start3A_3, %dma_start3A_5, %dma_start3A_6] : memref<8x128x32xf32, #tpu.memory_space<vmem>> -> memref<1x128x32xf32, #tpu.memory_space<vmem>>
    %dma_start3A_8 = tpu.memref_squeeze %dma_start3A_7 : memref<1x128x32xf32, #tpu.memory_space<vmem>> -> memref<128x32xf32, #tpu.memory_space<vmem>>
    %dma_start3A_9 = arith.constant 0 : i32
    %dma_start3A_10 = tpu.memref_slice %arg5[%dma_start3A, %dma_start3A_9] : memref<40x128xi32, #tpu.memory_space<vmem>> -> memref<1x128xi32, #tpu.memory_space<vmem>>
    %dma_start3A_11 = tpu.memref_squeeze %dma_start3A_10 : memref<1x128xi32, #tpu.memory_space<vmem>> -> memref<128xi32, #tpu.memory_space<vmem>>
    %dma_start3A_12 = arith.constant 0 : i32
    %dma_start3A_13 = arith.constant 0 : i32
    %dma_start3A_14 = tpu.memref_slice %arg3[%dma_start3A_12, %dma_start3A_13] : memref<100000x32xf32, #tpu.memory_space<hbm>> -> memref<100000x32xf32, #tpu.memory_space<hbm>>
    %dma_start3A_15 = tpu.memref_slice %arg7[%dma_start3A_4] : memref<8x!tpu.dma_semaphore, #tpu.memory_space<semaphore_mem>> -> memref<1x!tpu.dma_semaphore, #tpu.memory_space<semaphore_mem>>
    %dma_start3A_16 = tpu.memref_squeeze %dma_start3A_15 : memref<1x!tpu.dma_semaphore, #tpu.memory_space<semaphore_mem>> -> memref<!tpu.dma_semaphore, #tpu.memory_space<semaphore_mem>>
    tpu.enqueue_indirect_dma source(%dma_start3A_14 : memref<100000x32xf32, #tpu.memory_space<hbm>>) target(%dma_start3A_8 : memref<128x32xf32, #tpu.memory_space<vmem>>) offsets(%dma_start3A_11 : memref<128xi32, #tpu.memory_space<vmem>>) semaphore(%dma_start3A_16 : memref<!tpu.dma_semaphore, #tpu.memory_space<semaphore_mem>>)
    %dma_start3A_17 = arith.constant 1 : i32
    %dma_start3A_18 = arith.constant 1 : i32
    %dma_start3A_19 = arith.constant 1 : i32
    %dma_start3A_20 = arith.constant 0 : i32
    %dma_start3A_21 = arith.constant 0 : i32
    %dma_start3A_22 = tpu.memref_slice %arg6[%dma_start3A_18, %dma_start3A_20, %dma_start3A_21] : memref<8x128x32xf32, #tpu.memory_space<vmem>> -> memref<1x128x32xf32, #tpu.memory_space<vmem>>
    %dma_start3A_23 = tpu.memref_squeeze %dma_start3A_22 : memref<1x128x32xf32, #tpu.memory_space<vmem>> -> memref<128x32xf32, #tpu.memory_space<vmem>>
    %dma_start3A_24 = arith.constant 0 : i32
    %dma_start3A_25 = tpu.memref_slice %arg5[%dma_start3A_17, %dma_start3A_24] : memref<40x128xi32, #tpu.memory_space<vmem>> -> memref<1x128xi32, #tpu.memory_space<vmem>>
    %dma_start3A_26 = tpu.memref_squeeze %dma_start3A_25 : memref<1x128xi32, #tpu.memory_space<vmem>> -> memref<128xi32, #tpu.memory_space<vmem>>
    %dma_start3A_27 = arith.constant 0 : i32
    %dma_start3A_28 = arith.constant 0 : i32
    %dma_start3A_29 = tpu.memref_slice %arg3[%dma_start3A_27, %dma_start3A_28] : memref<100000x32xf32, #tpu.memory_space<hbm>> -> memref<100000x32xf32, #tpu.memory_space<hbm>>
    %dma_start3A_30 = tpu.memref_slice %arg7[%dma_start3A_19] : memref<8x!tpu.dma_semaphore, #tpu.memory_space<semaphore_mem>> -> memref<1x!tpu.dma_semaphore, #tpu.memory_space<semaphore_mem>>
    %dma_start3A_31 = tpu.memref_squeeze %dma_start3A_30 : memref<1x!tpu.dma_semaphore, #tpu.memory_space<semaphore_mem>> -> memref<!tpu.dma_semaphore, #tpu.memory_space<semaphore_mem>>
    tpu.enqueue_indirect_dma source(%dma_start3A_29 : memref<100000x32xf32, #tpu.memory_space<hbm>>) target(%dma_start3A_23 : memref<128x32xf32, #tpu.memory_space<vmem>>) offsets(%dma_start3A_26 : memref<128xi32, #tpu.memory_space<vmem>>) semaphore(%dma_start3A_31 : memref<!tpu.dma_semaphore, #tpu.memory_space<semaphore_mem>>)
    %dma_start3A_32 = arith.constant 2 : i32
    %dma_start3A_33 = arith.constant 2 : i32
    %dma_start3A_34 = arith.constant 2 : i32
    %dma_start3A_35 = arith.constant 0 : i32
    %dma_start3A_36 = arith.constant 0 : i32
    %dma_start3A_37 = tpu.memref_slice %arg6[%dma_start3A_33, %dma_start3A_35, %dma_start3A_36] : memref<8x128x32xf32, #tpu.memory_space<vmem>> -> memref<1x128x32xf32, #tpu.memory_space<vmem>>
    %dma_start3A_38 = tpu.memref_squeeze %dma_start3A_37 : memref<1x128x32xf32, #tpu.memory_space<vmem>> -> memref<128x32xf32, #tpu.memory_space<vmem>>
    %dma_start3A_39 = arith.constant 0 : i32
    %dma_start3A_40 = tpu.memref_slice %arg5[%dma_start3A_32, %dma_start3A_39] : memref<40x128xi32, #tpu.memory_space<vmem>> -> memref<1x128xi32, #tpu.memory_space<vmem>>
    %dma_start3A_41 = tpu.memref_squeeze %dma_start3A_40 : memref<1x128xi32, #tpu.memory_space<vmem>> -> memref<128xi32, #tpu.memory_space<vmem>>
    %dma_start3A_42 = arith.constant 0 : i32
    %dma_start3A_43 = arith.constant 0 : i32
    %dma_start3A_44 = tpu.memref_slice %arg3[%dma_start3A_42, %dma_start3A_43] : memref<100000x32xf32, #tpu.memory_space<hbm>> -> memref<100000x32xf32, #tpu.memory_space<hbm>>
    %dma_start3A_45 = tpu.memref_slice %arg7[%dma_start3A_34] : memref<8x!tpu.dma_semaphore, #tpu.memory_space<semaphore_mem>> -> memref<1x!tpu.dma_semaphore, #tpu.memory_space<semaphore_mem>>
    %dma_start3A_46 = tpu.memref_squeeze %dma_start3A_45 : memref<1x!tpu.dma_semaphore, #tpu.memory_space<semaphore_mem>> -> memref<!tpu.dma_semaphore, #tpu.memory_space<semaphore_mem>>
    tpu.enqueue_indirect_dma source(%dma_start3A_44 : memref<100000x32xf32, #tpu.memory_space<hbm>>) target(%dma_start3A_38 : memref<128x32xf32, #tpu.memory_space<vmem>>) offsets(%dma_start3A_41 : memref<128xi32, #tpu.memory_space<vmem>>) semaphore(%dma_start3A_46 : memref<!tpu.dma_semaphore, #tpu.memory_space<semaphore_mem>>)
    %dma_start3A_47 = arith.constant 3 : i32
    %dma_start3A_48 = arith.constant 3 : i32
    %dma_start3A_49 = arith.constant 3 : i32
    %dma_start3A_50 = arith.constant 0 : i32
    %dma_start3A_51 = arith.constant 0 : i32
    %dma_start3A_52 = tpu.memref_slice %arg6[%dma_start3A_48, %dma_start3A_50, %dma_start3A_51] : memref<8x128x32xf32, #tpu.memory_space<vmem>> -> memref<1x128x32xf32, #tpu.memory_space<vmem>>
    %dma_start3A_53 = tpu.memref_squeeze %dma_start3A_52 : memref<1x128x32xf32, #tpu.memory_space<vmem>> -> memref<128x32xf32, #tpu.memory_space<vmem>>
    %dma_start3A_54 = arith.constant 0 : i32
    %dma_start3A_55 = tpu.memref_slice %arg5[%dma_start3A_47, %dma_start3A_54] : memref<40x128xi32, #tpu.memory_space<vmem>> -> memref<1x128xi32, #tpu.memory_space<vmem>>
    %dma_start3A_56 = tpu.memref_squeeze %dma_start3A_55 : memref<1x128xi32, #tpu.memory_space<vmem>> -> memref<128xi32, #tpu.memory_space<vmem>>
    %dma_start3A_57 = arith.constant 0 : i32
    %dma_start3A_58 = arith.constant 0 : i32
    %dma_start3A_59 = tpu.memref_slice %arg3[%dma_start3A_57, %dma_start3A_58] : memref<100000x32xf32, #tpu.memory_space<hbm>> -> memref<100000x32xf32, #tpu.memory_space<hbm>>
    %dma_start3A_60 = tpu.memref_slice %arg7[%dma_start3A_49] : memref<8x!tpu.dma_semaphore, #tpu.memory_space<semaphore_mem>> -> memref<1x!tpu.dma_semaphore, #tpu.memory_space<semaphore_mem>>
    %dma_start3A_61 = tpu.memref_squeeze %dma_start3A_60 : memref<1x!tpu.dma_semaphore, #tpu.memory_space<semaphore_mem>> -> memref<!tpu.dma_semaphore, #tpu.memory_space<semaphore_mem>>
    tpu.enqueue_indirect_dma source(%dma_start3A_59 : memref<100000x32xf32, #tpu.memory_space<hbm>>) target(%dma_start3A_53 : memref<128x32xf32, #tpu.memory_space<vmem>>) offsets(%dma_start3A_56 : memref<128xi32, #tpu.memory_space<vmem>>) semaphore(%dma_start3A_61 : memref<!tpu.dma_semaphore, #tpu.memory_space<semaphore_mem>>)
    %scan3A = arith.constant 0 : i32
    %scan3A_62 = arith.constant 0 : i32
    %scan3A_63 = arith.constant 40 : i32
    %scan3A_64 = arith.addi %scan3A_62, %scan3A_63 : i32
    %scan3A_65 = arith.constant 1 : i32
    scf.for %scan3A_194 = %scan3A_62 to %scan3A_64 step %scan3A_65  : i32 {
      %rem3A = arith.constant 8 : i32
      %rem3A_195 = arith.remsi %scan3A_194, %rem3A : i32
      %dma_wait3A_196 = arith.constant 0 : i32
      %dma_wait3A_197 = arith.constant 0 : i32
      %dma_wait3A_198 = tpu.memref_slice %arg6[%rem3A_195, %dma_wait3A_196, %dma_wait3A_197] : memref<8x128x32xf32, #tpu.memory_space<vmem>> -> memref<1x128x32xf32, #tpu.memory_space<vmem>>
      %dma_wait3A_199 = tpu.memref_squeeze %dma_wait3A_198 : memref<1x128x32xf32, #tpu.memory_space<vmem>> -> memref<128x32xf32, #tpu.memory_space<vmem>>
      %dma_wait3A_200 = arith.constant 0 : i32
      %dma_wait3A_201 = tpu.memref_slice %arg5[%scan3A_194, %dma_wait3A_200] : memref<40x128xi32, #tpu.memory_space<vmem>> -> memref<1x128xi32, #tpu.memory_space<vmem>>
      %dma_wait3A_202 = tpu.memref_squeeze %dma_wait3A_201 : memref<1x128xi32, #tpu.memory_space<vmem>> -> memref<128xi32, #tpu.memory_space<vmem>>
      %dma_wait3A_203 = arith.constant 0 : i32
      %dma_wait3A_204 = arith.constant 0 : i32
      %dma_wait3A_205 = tpu.memref_slice %arg3[%dma_wait3A_203, %dma_wait3A_204] : memref<100000x32xf32, #tpu.memory_space<hbm>> -> memref<100000x32xf32, #tpu.memory_space<hbm>>
      %dma_wait3A_206 = tpu.memref_slice %arg7[%rem3A_195] : memref<8x!tpu.dma_semaphore, #tpu.memory_space<semaphore_mem>> -> memref<1x!tpu.dma_semaphore, #tpu.memory_space<semaphore_mem>>
      %dma_wait3A_207 = tpu.memref_squeeze %dma_wait3A_206 : memref<1x!tpu.dma_semaphore, #tpu.memory_space<semaphore_mem>> -> memref<!tpu.dma_semaphore, #tpu.memory_space<semaphore_mem>>
      tpu.wait_indirect_dma semaphore(%dma_wait3A_207 : memref<!tpu.dma_semaphore, #tpu.memory_space<semaphore_mem>>) src(%dma_wait3A_205 : memref<100000x32xf32, #tpu.memory_space<hbm>>) dst(%dma_wait3A_199 : memref<128x32xf32, #tpu.memory_space<vmem>>)
      %div3A = arith.constant 4 : i32
      %div3A_208 = arith.divsi %scan3A_194, %div3A : i32
      %mul3A_209 = arith.constant 128 : i32
      %mul3A_210 = arith.muli %div3A_208, %mul3A_209 : i32
      %add3A_211 = arith.addi %mul3A_2, %mul3A_210 : i32
      %rem3A_212 = arith.constant 4 : i32
      %rem3A_213 = arith.remsi %scan3A_194, %rem3A_212 : i32
      %mul3A_214 = arith.constant 32 : i32
      %mul3A_215 = arith.muli %rem3A_213, %mul3A_214 : i32
      %dma_start3A_216 = arith.constant 0 : i32
      %dma_start3A_217 = arith.constant 0 : i32
      %dma_start3A_218 = tpu.memref_slice %arg6[%rem3A_195, %dma_start3A_216, %dma_start3A_217] : memref<8x128x32xf32, #tpu.memory_space<vmem>> -> memref<1x128x32xf32, #tpu.memory_space<vmem>>
      %dma_start3A_219 = tpu.memref_squeeze %dma_start3A_218 : memref<1x128x32xf32, #tpu.memory_space<vmem>> -> memref<128x32xf32, #tpu.memory_space<vmem>>
      %dma_start3A_220 = tpu.memref_slice %arg4[%add3A_211, %mul3A_215] : memref<40960x128xf32, #tpu.memory_space<hbm>> -> memref<128x32xf32, #tpu.memory_space<hbm>>
      %dma_start3A_221 = tpu.memref_slice %arg8[%rem3A_195] : memref<8x!tpu.dma_semaphore, #tpu.memory_space<semaphore_mem>> -> memref<1x!tpu.dma_semaphore, #tpu.memory_space<semaphore_mem>>
      %dma_start3A_222 = tpu.memref_squeeze %dma_start3A_221 : memref<1x!tpu.dma_semaphore, #tpu.memory_space<semaphore_mem>> -> memref<!tpu.dma_semaphore, #tpu.memory_space<semaphore_mem>>
      %dma_start3A_223 = tpu.memref_slice %arg4[%add3A_211, %mul3A_215] : memref<40960x128xf32, #tpu.memory_space<hbm>> -> memref<128x32xf32, #tpu.memory_space<hbm>>
      %dma_start3A_224 = arith.constant 0 : i32
      %dma_start3A_225 = arith.constant 0 : i32
      %dma_start3A_226 = tpu.memref_slice %arg6[%rem3A_195, %dma_start3A_224, %dma_start3A_225] : memref<8x128x32xf32, #tpu.memory_space<vmem>> -> memref<1x128x32xf32, #tpu.memory_space<vmem>>
      %dma_start3A_227 = tpu.memref_squeeze %dma_start3A_226 : memref<1x128x32xf32, #tpu.memory_space<vmem>> -> memref<128x32xf32, #tpu.memory_space<vmem>>
      tpu.enqueue_dma source(%dma_start3A_227 : memref<128x32xf32, #tpu.memory_space<vmem>>) target(%dma_start3A_223 : memref<128x32xf32, #tpu.memory_space<hbm>>) target_semaphore(%dma_start3A_222 : memref<!tpu.dma_semaphore, #tpu.memory_space<semaphore_mem>>)
      %add3A_228 = arith.constant 4 : i32
      %add3A_229 = arith.addi %scan3A_194, %add3A_228 : i32
      %rem3A_230 = arith.constant 8 : i32
      %rem3A_231 = arith.remsi %add3A_229, %rem3A_230 : i32
      %add3A_232 = arith.constant 4 : i32
      %add3A_233 = arith.addi %scan3A_194, %add3A_232 : i32
      %lt3A = arith.constant 40 : i32
      %lt3A_234 = arith.cmpi slt, %add3A_233, %lt3A : i32
      %convert_element_type3A = arith.extui %lt3A_234 : i1 to i32
      %cond3A = arith.constant 0 : i32
      %cond3A_235 = arith.cmpi ne, %convert_element_type3A, %cond3A : i32
      scf.if %cond3A_235 {
        %add3A_236 = arith.constant 4 : i32
        %add3A_237 = arith.addi %scan3A_194, %add3A_236 : i32
        %ge3A = arith.constant 8 : i32
        %ge3A_238 = arith.cmpi sge, %add3A_237, %ge3A : i32
        %convert_element_type3A_239 = arith.extui %ge3A_238 : i1 to i32
        %cond3A_240 = arith.constant 0 : i32
        %cond3A_241 = arith.cmpi ne, %convert_element_type3A_239, %cond3A_240 : i32
        scf.if %cond3A_241 {
          %dma_wait3A_256 = arith.constant 0 : i32
          %dma_wait3A_257 = arith.constant 0 : i32
          %dma_wait3A_258 = tpu.memref_slice %arg6[%rem3A_231, %dma_wait3A_256, %dma_wait3A_257] : memref<8x128x32xf32, #tpu.memory_space<vmem>> -> memref<1x128x32xf32, #tpu.memory_space<vmem>>
          %dma_wait3A_259 = tpu.memref_squeeze %dma_wait3A_258 : memref<1x128x32xf32, #tpu.memory_space<vmem>> -> memref<128x32xf32, #tpu.memory_space<vmem>>
          %dma_wait3A_260 = arith.constant 0 : i32
          %dma_wait3A_261 = tpu.memref_slice %arg4[%mul3A_2, %dma_wait3A_260] : memref<40960x128xf32, #tpu.memory_space<hbm>> -> memref<128x32xf32, #tpu.memory_space<hbm>>
          %dma_wait3A_262 = tpu.memref_slice %arg8[%rem3A_231] : memref<8x!tpu.dma_semaphore, #tpu.memory_space<semaphore_mem>> -> memref<1x!tpu.dma_semaphore, #tpu.memory_space<semaphore_mem>>
          %dma_wait3A_263 = tpu.memref_squeeze %dma_wait3A_262 : memref<1x!tpu.dma_semaphore, #tpu.memory_space<semaphore_mem>> -> memref<!tpu.dma_semaphore, #tpu.memory_space<semaphore_mem>>
          %dma_wait3A_264 = arith.constant 0 : i32
          %dma_wait3A_265 = tpu.memref_slice %arg4[%mul3A_2, %dma_wait3A_264] : memref<40960x128xf32, #tpu.memory_space<hbm>> -> memref<128x32xf32, #tpu.memory_space<hbm>>
          %dma_wait3A_266 = arith.constant 0 : i32
          %dma_wait3A_267 = arith.constant 0 : i32
          %dma_wait3A_268 = tpu.memref_slice %arg6[%rem3A_231, %dma_wait3A_266, %dma_wait3A_267] : memref<8x128x32xf32, #tpu.memory_space<vmem>> -> memref<1x128x32xf32, #tpu.memory_space<vmem>>
          %dma_wait3A_269 = tpu.memref_squeeze %dma_wait3A_268 : memref<1x128x32xf32, #tpu.memory_space<vmem>> -> memref<128x32xf32, #tpu.memory_space<vmem>>
          tpu.wait_dma2 semaphore(%dma_wait3A_263 : memref<!tpu.dma_semaphore, #tpu.memory_space<semaphore_mem>>) src(%dma_wait3A_269 : memref<128x32xf32, #tpu.memory_space<vmem>>) dst(%dma_wait3A_265 : memref<128x32xf32, #tpu.memory_space<hbm>>)
        } else {
        }
        %add3A_242 = arith.constant 4 : i32
        %add3A_243 = arith.addi %scan3A_194, %add3A_242 : i32
        %dma_start3A_244 = arith.constant 0 : i32
        %dma_start3A_245 = arith.constant 0 : i32
        %dma_start3A_246 = tpu.memref_slice %arg6[%rem3A_231, %dma_start3A_244, %dma_start3A_245] : memref<8x128x32xf32, #tpu.memory_space<vmem>> -> memref<1x128x32xf32, #tpu.memory_space<vmem>>
        %dma_start3A_247 = tpu.memref_squeeze %dma_start3A_246 : memref<1x128x32xf32, #tpu.memory_space<vmem>> -> memref<128x32xf32, #tpu.memory_space<vmem>>
        %dma_start3A_248 = arith.constant 0 : i32
        %dma_start3A_249 = tpu.memref_slice %arg5[%add3A_243, %dma_start3A_248] : memref<40x128xi32, #tpu.memory_space<vmem>> -> memref<1x128xi32, #tpu.memory_space<vmem>>
        %dma_start3A_250 = tpu.memref_squeeze %dma_start3A_249 : memref<1x128xi32, #tpu.memory_space<vmem>> -> memref<128xi32, #tpu.memory_space<vmem>>
        %dma_start3A_251 = arith.constant 0 : i32
        %dma_start3A_252 = arith.constant 0 : i32
        %dma_start3A_253 = tpu.memref_slice %arg3[%dma_start3A_251, %dma_start3A_252] : memref<100000x32xf32, #tpu.memory_space<hbm>> -> memref<100000x32xf32, #tpu.memory_space<hbm>>
        %dma_start3A_254 = tpu.memref_slice %arg7[%rem3A_231] : memref<8x!tpu.dma_semaphore, #tpu.memory_space<semaphore_mem>> -> memref<1x!tpu.dma_semaphore, #tpu.memory_space<semaphore_mem>>
        %dma_start3A_255 = tpu.memref_squeeze %dma_start3A_254 : memref<1x!tpu.dma_semaphore, #tpu.memory_space<semaphore_mem>> -> memref<!tpu.dma_semaphore, #tpu.memory_space<semaphore_mem>>
        tpu.enqueue_indirect_dma source(%dma_start3A_253 : memref<100000x32xf32, #tpu.memory_space<hbm>>) target(%dma_start3A_247 : memref<128x32xf32, #tpu.memory_space<vmem>>) offsets(%dma_start3A_250 : memref<128xi32, #tpu.memory_space<vmem>>) semaphore(%dma_start3A_255 : memref<!tpu.dma_semaphore, #tpu.memory_space<semaphore_mem>>)
      } else {
      }
    }
    %scan3A_66 = arith.constant 40 : i32
    %dma_wait3A = arith.constant 0 : i32
    %dma_wait3A_67 = arith.constant 0 : i32
    %dma_wait3A_68 = arith.constant 0 : i32
    %dma_wait3A_69 = arith.constant 0 : i32
    %dma_wait3A_70 = tpu.memref_slice %arg6[%dma_wait3A, %dma_wait3A_68, %dma_wait3A_69] : memref<8x128x32xf32, #tpu.memory_space<vmem>> -> memref<1x128x32xf32, #tpu.memory_space<vmem>>
    %dma_wait3A_71 = tpu.memref_squeeze %dma_wait3A_70 : memref<1x128x32xf32, #tpu.memory_space<vmem>> -> memref<128x32xf32, #tpu.memory_space<vmem>>
    %dma_wait3A_72 = arith.constant 0 : i32
    %dma_wait3A_73 = tpu.memref_slice %arg4[%mul3A_2, %dma_wait3A_72] : memref<40960x128xf32, #tpu.memory_space<hbm>> -> memref<128x32xf32, #tpu.memory_space<hbm>>
    %dma_wait3A_74 = tpu.memref_slice %arg8[%dma_wait3A_67] : memref<8x!tpu.dma_semaphore, #tpu.memory_space<semaphore_mem>> -> memref<1x!tpu.dma_semaphore, #tpu.memory_space<semaphore_mem>>
    %dma_wait3A_75 = tpu.memref_squeeze %dma_wait3A_74 : memref<1x!tpu.dma_semaphore, #tpu.memory_space<semaphore_mem>> -> memref<!tpu.dma_semaphore, #tpu.memory_space<semaphore_mem>>
    %dma_wait3A_76 = arith.constant 0 : i32
    %dma_wait3A_77 = tpu.memref_slice %arg4[%mul3A_2, %dma_wait3A_76] : memref<40960x128xf32, #tpu.memory_space<hbm>> -> memref<128x32xf32, #tpu.memory_space<hbm>>
    %dma_wait3A_78 = arith.constant 0 : i32
    %dma_wait3A_79 = arith.constant 0 : i32
    %dma_wait3A_80 = tpu.memref_slice %arg6[%dma_wait3A, %dma_wait3A_78, %dma_wait3A_79] : memref<8x128x32xf32, #tpu.memory_space<vmem>> -> memref<1x128x32xf32, #tpu.memory_space<vmem>>
    %dma_wait3A_81 = tpu.memref_squeeze %dma_wait3A_80 : memref<1x128x32xf32, #tpu.memory_space<vmem>> -> memref<128x32xf32, #tpu.memory_space<vmem>>
    tpu.wait_dma2 semaphore(%dma_wait3A_75 : memref<!tpu.dma_semaphore, #tpu.memory_space<semaphore_mem>>) src(%dma_wait3A_81 : memref<128x32xf32, #tpu.memory_space<vmem>>) dst(%dma_wait3A_77 : memref<128x32xf32, #tpu.memory_space<hbm>>)
    %dma_wait3A_82 = arith.constant 1 : i32
    %dma_wait3A_83 = arith.constant 1 : i32
    %dma_wait3A_84 = arith.constant 0 : i32
    %dma_wait3A_85 = arith.constant 0 : i32
    %dma_wait3A_86 = tpu.memref_slice %arg6[%dma_wait3A_82, %dma_wait3A_84, %dma_wait3A_85] : memref<8x128x32xf32, #tpu.memory_space<vmem>> -> memref<1x128x32xf32, #tpu.memory_space<vmem>>
    %dma_wait3A_87 = tpu.memref_squeeze %dma_wait3A_86 : memref<1x128x32xf32, #tpu.memory_space<vmem>> -> memref<128x32xf32, #tpu.memory_space<vmem>>
    %dma_wait3A_88 = arith.constant 0 : i32
    %dma_wait3A_89 = tpu.memref_slice %arg4[%mul3A_2, %dma_wait3A_88] : memref<40960x128xf32, #tpu.memory_space<hbm>> -> memref<128x32xf32, #tpu.memory_space<hbm>>
    %dma_wait3A_90 = tpu.memref_slice %arg8[%dma_wait3A_83] : memref<8x!tpu.dma_semaphore, #tpu.memory_space<semaphore_mem>> -> memref<1x!tpu.dma_semaphore, #tpu.memory_space<semaphore_mem>>
    %dma_wait3A_91 = tpu.memref_squeeze %dma_wait3A_90 : memref<1x!tpu.dma_semaphore, #tpu.memory_space<semaphore_mem>> -> memref<!tpu.dma_semaphore, #tpu.memory_space<semaphore_mem>>
    %dma_wait3A_92 = arith.constant 0 : i32
    %dma_wait3A_93 = tpu.memref_slice %arg4[%mul3A_2, %dma_wait3A_92] : memref<40960x128xf32, #tpu.memory_space<hbm>> -> memref<128x32xf32, #tpu.memory_space<hbm>>
    %dma_wait3A_94 = arith.constant 0 : i32
    %dma_wait3A_95 = arith.constant 0 : i32
    %dma_wait3A_96 = tpu.memref_slice %arg6[%dma_wait3A_82, %dma_wait3A_94, %dma_wait3A_95] : memref<8x128x32xf32, #tpu.memory_space<vmem>> -> memref<1x128x32xf32, #tpu.memory_space<vmem>>
    %dma_wait3A_97 = tpu.memref_squeeze %dma_wait3A_96 : memref<1x128x32xf32, #tpu.memory_space<vmem>> -> memref<128x32xf32, #tpu.memory_space<vmem>>
    tpu.wait_dma2 semaphore(%dma_wait3A_91 : memref<!tpu.dma_semaphore, #tpu.memory_space<semaphore_mem>>) src(%dma_wait3A_97 : memref<128x32xf32, #tpu.memory_space<vmem>>) dst(%dma_wait3A_93 : memref<128x32xf32, #tpu.memory_space<hbm>>)
    %dma_wait3A_98 = arith.constant 2 : i32
    %dma_wait3A_99 = arith.constant 2 : i32
    %dma_wait3A_100 = arith.constant 0 : i32
    %dma_wait3A_101 = arith.constant 0 : i32
    %dma_wait3A_102 = tpu.memref_slice %arg6[%dma_wait3A_98, %dma_wait3A_100, %dma_wait3A_101] : memref<8x128x32xf32, #tpu.memory_space<vmem>> -> memref<1x128x32xf32, #tpu.memory_space<vmem>>
    %dma_wait3A_103 = tpu.memref_squeeze %dma_wait3A_102 : memref<1x128x32xf32, #tpu.memory_space<vmem>> -> memref<128x32xf32, #tpu.memory_space<vmem>>
    %dma_wait3A_104 = arith.constant 0 : i32
    %dma_wait3A_105 = tpu.memref_slice %arg4[%mul3A_2, %dma_wait3A_104] : memref<40960x128xf32, #tpu.memory_space<hbm>> -> memref<128x32xf32, #tpu.memory_space<hbm>>
    %dma_wait3A_106 = tpu.memref_slice %arg8[%dma_wait3A_99] : memref<8x!tpu.dma_semaphore, #tpu.memory_space<semaphore_mem>> -> memref<1x!tpu.dma_semaphore, #tpu.memory_space<semaphore_mem>>
    %dma_wait3A_107 = tpu.memref_squeeze %dma_wait3A_106 : memref<1x!tpu.dma_semaphore, #tpu.memory_space<semaphore_mem>> -> memref<!tpu.dma_semaphore, #tpu.memory_space<semaphore_mem>>
    %dma_wait3A_108 = arith.constant 0 : i32
    %dma_wait3A_109 = tpu.memref_slice %arg4[%mul3A_2, %dma_wait3A_108] : memref<40960x128xf32, #tpu.memory_space<hbm>> -> memref<128x32xf32, #tpu.memory_space<hbm>>
    %dma_wait3A_110 = arith.constant 0 : i32
    %dma_wait3A_111 = arith.constant 0 : i32
    %dma_wait3A_112 = tpu.memref_slice %arg6[%dma_wait3A_98, %dma_wait3A_110, %dma_wait3A_111] : memref<8x128x32xf32, #tpu.memory_space<vmem>> -> memref<1x128x32xf32, #tpu.memory_space<vmem>>
    %dma_wait3A_113 = tpu.memref_squeeze %dma_wait3A_112 : memref<1x128x32xf32, #tpu.memory_space<vmem>> -> memref<128x32xf32, #tpu.memory_space<vmem>>
    tpu.wait_dma2 semaphore(%dma_wait3A_107 : memref<!tpu.dma_semaphore, #tpu.memory_space<semaphore_mem>>) src(%dma_wait3A_113 : memref<128x32xf32, #tpu.memory_space<vmem>>) dst(%dma_wait3A_109 : memref<128x32xf32, #tpu.memory_space<hbm>>)
    %dma_wait3A_114 = arith.constant 3 : i32
    %dma_wait3A_115 = arith.constant 3 : i32
    %dma_wait3A_116 = arith.constant 0 : i32
    %dma_wait3A_117 = arith.constant 0 : i32
    %dma_wait3A_118 = tpu.memref_slice %arg6[%dma_wait3A_114, %dma_wait3A_116, %dma_wait3A_117] : memref<8x128x32xf32, #tpu.memory_space<vmem>> -> memref<1x128x32xf32, #tpu.memory_space<vmem>>
    %dma_wait3A_119 = tpu.memref_squeeze %dma_wait3A_118 : memref<1x128x32xf32, #tpu.memory_space<vmem>> -> memref<128x32xf32, #tpu.memory_space<vmem>>
    %dma_wait3A_120 = arith.constant 0 : i32
    %dma_wait3A_121 = tpu.memref_slice %arg4[%mul3A_2, %dma_wait3A_120] : memref<40960x128xf32, #tpu.memory_space<hbm>> -> memref<128x32xf32, #tpu.memory_space<hbm>>
    %dma_wait3A_122 = tpu.memref_slice %arg8[%dma_wait3A_115] : memref<8x!tpu.dma_semaphore, #tpu.memory_space<semaphore_mem>> -> memref<1x!tpu.dma_semaphore, #tpu.memory_space<semaphore_mem>>
    %dma_wait3A_123 = tpu.memref_squeeze %dma_wait3A_122 : memref<1x!tpu.dma_semaphore, #tpu.memory_space<semaphore_mem>> -> memref<!tpu.dma_semaphore, #tpu.memory_space<semaphore_mem>>
    %dma_wait3A_124 = arith.constant 0 : i32
    %dma_wait3A_125 = tpu.memref_slice %arg4[%mul3A_2, %dma_wait3A_124] : memref<40960x128xf32, #tpu.memory_space<hbm>> -> memref<128x32xf32, #tpu.memory_space<hbm>>
    %dma_wait3A_126 = arith.constant 0 : i32
    %dma_wait3A_127 = arith.constant 0 : i32
    %dma_wait3A_128 = tpu.memref_slice %arg6[%dma_wait3A_114, %dma_wait3A_126, %dma_wait3A_127] : memref<8x128x32xf32, #tpu.memory_space<vmem>> -> memref<1x128x32xf32, #tpu.memory_space<vmem>>
    %dma_wait3A_129 = tpu.memref_squeeze %dma_wait3A_128 : memref<1x128x32xf32, #tpu.memory_space<vmem>> -> memref<128x32xf32, #tpu.memory_space<vmem>>
    tpu.wait_dma2 semaphore(%dma_wait3A_123 : memref<!tpu.dma_semaphore, #tpu.memory_space<semaphore_mem>>) src(%dma_wait3A_129 : memref<128x32xf32, #tpu.memory_space<vmem>>) dst(%dma_wait3A_125 : memref<128x32xf32, #tpu.memory_space<hbm>>)
    %dma_wait3A_130 = arith.constant 4 : i32
    %dma_wait3A_131 = arith.constant 4 : i32
    %dma_wait3A_132 = arith.constant 0 : i32
    %dma_wait3A_133 = arith.constant 0 : i32
    %dma_wait3A_134 = tpu.memref_slice %arg6[%dma_wait3A_130, %dma_wait3A_132, %dma_wait3A_133] : memref<8x128x32xf32, #tpu.memory_space<vmem>> -> memref<1x128x32xf32, #tpu.memory_space<vmem>>
    %dma_wait3A_135 = tpu.memref_squeeze %dma_wait3A_134 : memref<1x128x32xf32, #tpu.memory_space<vmem>> -> memref<128x32xf32, #tpu.memory_space<vmem>>
    %dma_wait3A_136 = arith.constant 0 : i32
    %dma_wait3A_137 = tpu.memref_slice %arg4[%mul3A_2, %dma_wait3A_136] : memref<40960x128xf32, #tpu.memory_space<hbm>> -> memref<128x32xf32, #tpu.memory_space<hbm>>
    %dma_wait3A_138 = tpu.memref_slice %arg8[%dma_wait3A_131] : memref<8x!tpu.dma_semaphore, #tpu.memory_space<semaphore_mem>> -> memref<1x!tpu.dma_semaphore, #tpu.memory_space<semaphore_mem>>
    %dma_wait3A_139 = tpu.memref_squeeze %dma_wait3A_138 : memref<1x!tpu.dma_semaphore, #tpu.memory_space<semaphore_mem>> -> memref<!tpu.dma_semaphore, #tpu.memory_space<semaphore_mem>>
    %dma_wait3A_140 = arith.constant 0 : i32
    %dma_wait3A_141 = tpu.memref_slice %arg4[%mul3A_2, %dma_wait3A_140] : memref<40960x128xf32, #tpu.memory_space<hbm>> -> memref<128x32xf32, #tpu.memory_space<hbm>>
    %dma_wait3A_142 = arith.constant 0 : i32
    %dma_wait3A_143 = arith.constant 0 : i32
    %dma_wait3A_144 = tpu.memref_slice %arg6[%dma_wait3A_130, %dma_wait3A_142, %dma_wait3A_143] : memref<8x128x32xf32, #tpu.memory_space<vmem>> -> memref<1x128x32xf32, #tpu.memory_space<vmem>>
    %dma_wait3A_145 = tpu.memref_squeeze %dma_wait3A_144 : memref<1x128x32xf32, #tpu.memory_space<vmem>> -> memref<128x32xf32, #tpu.memory_space<vmem>>
    tpu.wait_dma2 semaphore(%dma_wait3A_139 : memref<!tpu.dma_semaphore, #tpu.memory_space<semaphore_mem>>) src(%dma_wait3A_145 : memref<128x32xf32, #tpu.memory_space<vmem>>) dst(%dma_wait3A_141 : memref<128x32xf32, #tpu.memory_space<hbm>>)
    %dma_wait3A_146 = arith.constant 5 : i32
    %dma_wait3A_147 = arith.constant 5 : i32
    %dma_wait3A_148 = arith.constant 0 : i32
    %dma_wait3A_149 = arith.constant 0 : i32
    %dma_wait3A_150 = tpu.memref_slice %arg6[%dma_wait3A_146, %dma_wait3A_148, %dma_wait3A_149] : memref<8x128x32xf32, #tpu.memory_space<vmem>> -> memref<1x128x32xf32, #tpu.memory_space<vmem>>
    %dma_wait3A_151 = tpu.memref_squeeze %dma_wait3A_150 : memref<1x128x32xf32, #tpu.memory_space<vmem>> -> memref<128x32xf32, #tpu.memory_space<vmem>>
    %dma_wait3A_152 = arith.constant 0 : i32
    %dma_wait3A_153 = tpu.memref_slice %arg4[%mul3A_2, %dma_wait3A_152] : memref<40960x128xf32, #tpu.memory_space<hbm>> -> memref<128x32xf32, #tpu.memory_space<hbm>>
    %dma_wait3A_154 = tpu.memref_slice %arg8[%dma_wait3A_147] : memref<8x!tpu.dma_semaphore, #tpu.memory_space<semaphore_mem>> -> memref<1x!tpu.dma_semaphore, #tpu.memory_space<semaphore_mem>>
    %dma_wait3A_155 = tpu.memref_squeeze %dma_wait3A_154 : memref<1x!tpu.dma_semaphore, #tpu.memory_space<semaphore_mem>> -> memref<!tpu.dma_semaphore, #tpu.memory_space<semaphore_mem>>
    %dma_wait3A_156 = arith.constant 0 : i32
    %dma_wait3A_157 = tpu.memref_slice %arg4[%mul3A_2, %dma_wait3A_156] : memref<40960x128xf32, #tpu.memory_space<hbm>> -> memref<128x32xf32, #tpu.memory_space<hbm>>
    %dma_wait3A_158 = arith.constant 0 : i32
    %dma_wait3A_159 = arith.constant 0 : i32
    %dma_wait3A_160 = tpu.memref_slice %arg6[%dma_wait3A_146, %dma_wait3A_158, %dma_wait3A_159] : memref<8x128x32xf32, #tpu.memory_space<vmem>> -> memref<1x128x32xf32, #tpu.memory_space<vmem>>
    %dma_wait3A_161 = tpu.memref_squeeze %dma_wait3A_160 : memref<1x128x32xf32, #tpu.memory_space<vmem>> -> memref<128x32xf32, #tpu.memory_space<vmem>>
    tpu.wait_dma2 semaphore(%dma_wait3A_155 : memref<!tpu.dma_semaphore, #tpu.memory_space<semaphore_mem>>) src(%dma_wait3A_161 : memref<128x32xf32, #tpu.memory_space<vmem>>) dst(%dma_wait3A_157 : memref<128x32xf32, #tpu.memory_space<hbm>>)
    %dma_wait3A_162 = arith.constant 6 : i32
    %dma_wait3A_163 = arith.constant 6 : i32
    %dma_wait3A_164 = arith.constant 0 : i32
    %dma_wait3A_165 = arith.constant 0 : i32
    %dma_wait3A_166 = tpu.memref_slice %arg6[%dma_wait3A_162, %dma_wait3A_164, %dma_wait3A_165] : memref<8x128x32xf32, #tpu.memory_space<vmem>> -> memref<1x128x32xf32, #tpu.memory_space<vmem>>
    %dma_wait3A_167 = tpu.memref_squeeze %dma_wait3A_166 : memref<1x128x32xf32, #tpu.memory_space<vmem>> -> memref<128x32xf32, #tpu.memory_space<vmem>>
    %dma_wait3A_168 = arith.constant 0 : i32
    %dma_wait3A_169 = tpu.memref_slice %arg4[%mul3A_2, %dma_wait3A_168] : memref<40960x128xf32, #tpu.memory_space<hbm>> -> memref<128x32xf32, #tpu.memory_space<hbm>>
    %dma_wait3A_170 = tpu.memref_slice %arg8[%dma_wait3A_163] : memref<8x!tpu.dma_semaphore, #tpu.memory_space<semaphore_mem>> -> memref<1x!tpu.dma_semaphore, #tpu.memory_space<semaphore_mem>>
    %dma_wait3A_171 = tpu.memref_squeeze %dma_wait3A_170 : memref<1x!tpu.dma_semaphore, #tpu.memory_space<semaphore_mem>> -> memref<!tpu.dma_semaphore, #tpu.memory_space<semaphore_mem>>
    %dma_wait3A_172 = arith.constant 0 : i32
    %dma_wait3A_173 = tpu.memref_slice %arg4[%mul3A_2, %dma_wait3A_172] : memref<40960x128xf32, #tpu.memory_space<hbm>> -> memref<128x32xf32, #tpu.memory_space<hbm>>
    %dma_wait3A_174 = arith.constant 0 : i32
    %dma_wait3A_175 = arith.constant 0 : i32
    %dma_wait3A_176 = tpu.memref_slice %arg6[%dma_wait3A_162, %dma_wait3A_174, %dma_wait3A_175] : memref<8x128x32xf32, #tpu.memory_space<vmem>> -> memref<1x128x32xf32, #tpu.memory_space<vmem>>
    %dma_wait3A_177 = tpu.memref_squeeze %dma_wait3A_176 : memref<1x128x32xf32, #tpu.memory_space<vmem>> -> memref<128x32xf32, #tpu.memory_space<vmem>>
    tpu.wait_dma2 semaphore(%dma_wait3A_171 : memref<!tpu.dma_semaphore, #tpu.memory_space<semaphore_mem>>) src(%dma_wait3A_177 : memref<128x32xf32, #tpu.memory_space<vmem>>) dst(%dma_wait3A_173 : memref<128x32xf32, #tpu.memory_space<hbm>>)
    %dma_wait3A_178 = arith.constant 7 : i32
    %dma_wait3A_179 = arith.constant 7 : i32
    %dma_wait3A_180 = arith.constant 0 : i32
    %dma_wait3A_181 = arith.constant 0 : i32
    %dma_wait3A_182 = tpu.memref_slice %arg6[%dma_wait3A_178, %dma_wait3A_180, %dma_wait3A_181] : memref<8x128x32xf32, #tpu.memory_space<vmem>> -> memref<1x128x32xf32, #tpu.memory_space<vmem>>
    %dma_wait3A_183 = tpu.memref_squeeze %dma_wait3A_182 : memref<1x128x32xf32, #tpu.memory_space<vmem>> -> memref<128x32xf32, #tpu.memory_space<vmem>>
    %dma_wait3A_184 = arith.constant 0 : i32
    %dma_wait3A_185 = tpu.memref_slice %arg4[%mul3A_2, %dma_wait3A_184] : memref<40960x128xf32, #tpu.memory_space<hbm>> -> memref<128x32xf32, #tpu.memory_space<hbm>>
    %dma_wait3A_186 = tpu.memref_slice %arg8[%dma_wait3A_179] : memref<8x!tpu.dma_semaphore, #tpu.memory_space<semaphore_mem>> -> memref<1x!tpu.dma_semaphore, #tpu.memory_space<semaphore_mem>>
    %dma_wait3A_187 = tpu.memref_squeeze %dma_wait3A_186 : memref<1x!tpu.dma_semaphore, #tpu.memory_space<semaphore_mem>> -> memref<!tpu.dma_semaphore, #tpu.memory_space<semaphore_mem>>
    %dma_wait3A_188 = arith.constant 0 : i32
    %dma_wait3A_189 = tpu.memref_slice %arg4[%mul3A_2, %dma_wait3A_188] : memref<40960x128xf32, #tpu.memory_space<hbm>> -> memref<128x32xf32, #tpu.memory_space<hbm>>
    %dma_wait3A_190 = arith.constant 0 : i32
    %dma_wait3A_191 = arith.constant 0 : i32
    %dma_wait3A_192 = tpu.memref_slice %arg6[%dma_wait3A_178, %dma_wait3A_190, %dma_wait3A_191] : memref<8x128x32xf32, #tpu.memory_space<vmem>> -> memref<1x128x32xf32, #tpu.memory_space<vmem>>
    %dma_wait3A_193 = tpu.memref_squeeze %dma_wait3A_192 : memref<1x128x32xf32, #tpu.memory_space<vmem>> -> memref<128x32xf32, #tpu.memory_space<vmem>>
    tpu.wait_dma2 semaphore(%dma_wait3A_187 : memref<!tpu.dma_semaphore, #tpu.memory_space<semaphore_mem>>) src(%dma_wait3A_193 : memref<128x32xf32, #tpu.memory_space<vmem>>) dst(%dma_wait3A_189 : memref<128x32xf32, #tpu.memory_space<hbm>>)
    return
  }
}

</mosaic_0001>

<sc_bundles>
// kernel: _sc_gather.3.cloned.1.call-start
scs
__scs_entry_jumppad:
0x0: {  	(pc) =	sbr.rel $0x88, $3  }
0x1: {  	(tag) =	ssettag $0x0;
	lr =	simm.s32 $0x1  }
0x2: {  	[smem:$0x3F9F] =	sst lr;
	_ =	strace $0xD0000000  }
0x3: {  	_ = 	snop  }
0x4: {  	_ = 	snop  }
0x5: {  	_ = 	snop  }
0x6: {  	_ = 	snop  }
0x7: {  	_ = 	snop  }
__scs_overlays_trampoline_lowered:
0x8: {  	[smem:$0x3FAE] =	sst s0  }
0x9: {  	[smem:$0x3FAF] =	sst s1  }
0xa: {  	[smem:$0x3FB0] =	sst s2  }
0xb: {  	[smem:$0x3FB1] =	sst s3  }
0xc: {  	[smem:$0x3FB2] =	sst s4  }
0xd: {  	[smem:$0x3FB3] =	sst s5  }
0xe: {  	[smem:$0x3FB4] =	sst s6  }
0xf: {  	[smem:$0x3FB5] =	sst s7  }
0x10: {  	[smem:$0x3FB6] =	sst s8  }
0x11: {  	[smem:$0x3FB7] =	sst s9;
	s0 =	simm.s32 @!p0 $0x0  }
0x12: {  	s1 =	sld [smem:$0x3F9D];
	s0 =	simm.s32 @p0 $0x1  }
0x13: {  	[smem:$0x3FB8] =	sst s0;
	s0 =	simm.s32 @!p1 $0x0  }
0x14: {  	s2 =	sld [smem:$0x3F9C];
	s0 =	simm.s32 @p1 $0x1  }
0x15: {  	[smem:$0x3FB9] =	sst s0;
	s0 =	simm.s32 @!p2 $0x0  }
0x16: {  	s3 =	sld [smem:$0x3FDB];
	s0 =	simm.s32 @p2 $0x1  }
0x17: {  	s4 =	simm.s32 $0x1BF5;
	[smem:$0x3FBB] =	sst s0  }
0x18: {  	s0 =	sld [smem:$0x3F9E];
	_ =	swait.ge [sflag:s4], $0x0  }
0x19: {  	s7 =	sld [smem:$0x3F9F]  }
0x1a: {  	s8 =	sadd.s32 $0xFFFFE003, lr  }
0x1b: {  	s9 =	sadd.s32 $0xFFFFFEF7, lr;
	s5 =	simm.s32 $0xFFFFFFFF;
	p2 =	slt.u32 s8, $0xFFFFF086  }
0x1c: {  	p1 =	slt.u32 s9, $0xF7A;
	s5 =	simm.s32 @!p2 $0x0  }
0x1d: {  	s5 =	simm.s32 @p1 $0x1;
	p0 =	seq.s32 s7, s2  }
0x1e: {  	s7 =	smul.u32 @!p0 $0xF7A, s2;
	p2 =	seq.s32 @!p0 s5, $0x0  }
0x1f: {  	s9 =	smul.u32 $0xF7A, s1;
	s8 =	simm.s32 @!p0 $0x1BF5;
	p2 =	por !p2, p0  }
0x20: {  	[sflag:s8] =	ssyncset.s32 @!p0 $0xFFFFF086;
	s6 =	sadd.s32 @!p0 s3, s7;
	s7 =	simm.s32 @!p0 $0x108  }
0x21: {  	s3 =	sadd.s32 s3, s9;
	s6 =	sadd.s32 @!p0 $0x88, s6;
	s7 =	simm.s32 @p2 $0x1082  }
0x22: {  	[simem:s7], [sflag:s8] =	dma.local @!p0 [hbm:s6], $0xF7A  }
0x23: {  	s9 =	sor.u32 $0xD0000000, s2;
	s6 =	simm.s32 $0x108;
	_ =	swait.ge @!p0 [sflag:s8], $0x0  }
0x24: {  	s3 =	sadd.s32 $0x88, s3;
	s6 =	simm.s32 @!p1 $0x1082;
	[sflag:s4] =	ssyncset.s32 $0xFFFFF086  }
0x25: {  	[simem:s6], [sflag:s4] =	dma.local [hbm:s3], $0xF7A  }
0x26: {  	[smem:$0x3F9F] =	sst s1;
	(tag) =	ssettag s2;
	_ =	strace s9  }
0x27: {  	s1 =	sld [smem:$0x3FAF]  }
0x28: {  	s2 =	sld [smem:$0x3FB0]  }
0x29: {  	s4 =	sld [smem:$0x3FB2]  }
0x2a: {  	p0 =	seq.s32 s5, $0x0;
	s5 =	sld [smem:$0x3FB3]  }
0x2b: {  	s6 =	sld [smem:$0x3FB4]  }
0x2c: {  	s7 =	sld [smem:$0x3FB5]  }
0x2d: {  	s3 =	simm.s32 $0x108;
	s8 =	sld [smem:$0x3FB6]  }
0x2e: {  	s3 =	simm.s32 @!p0 $0x1082;
	s9 =	sld [smem:$0x3FB7]  }
0x2f: {  	lr =	sadd.s32 s0, s3;
	s0 =	sld [smem:$0x3FAE]  }
0x30: {  	s3 =	sld [smem:$0x3FB1]  }
0x31: {  	[smem:$0x3FBA] =	sst s10  }
0x32: {  	s10 =	sld [smem:$0x3FB8];
	_ =	sdelay $0x3  }
0x33: {  	p0 =	seq.s32 s10, $0x1;
	s10 =	sld [smem:$0x3FBA];
	_ =	sdelay $0x3  }
0x34: {  	[smem:$0x3FBA] =	sst s10  }
0x35: {  	s10 =	sld [smem:$0x3FB9];
	_ =	sdelay $0x3  }
0x36: {  	p1 =	seq.s32 s10, $0x1;
	s10 =	sld [smem:$0x3FBA];
	_ =	sdelay $0x3  }
0x37: {  	[smem:$0x3FBA] =	sst s10  }
0x38: {  	s10 =	sld [smem:$0x3FBB]  }
0x39: {  	_ = 	snop;
	(pc) =	sbr.ind lr, $3  }
0x3a: {  	_ = 	snop  }
0x3b: {  	_ = 	snop  }
0x3c: {  	p2 =	seq.s32 s10, $0x1;
	s10 =	sld [smem:$0x3FBA]  }
0x3d: {  	_ =	shalt  }
0x3e: {  	_ =	shalt  }
0x3f: {  	_ =	shalt  }
0x40: {  	_ =	shalt  }
0x41: {  	_ =	shalt  }
0x42: {  	_ =	shalt  }
0x43: {  	_ =	shalt  }
0x44: {  	_ =	shalt  }
0x45: {  	_ =	shalt  }
0x46: {  	_ =	shalt  }
0x47: {  	_ =	shalt  }
0x48: {  	_ =	shalt  }
0x49: {  	_ =	shalt  }
0x4a: {  	_ =	shalt  }
0x4b: {  	_ =	shalt  }
0x4c: {  	_ =	shalt  }
0x4d: {  	_ =	shalt  }
0x4e: {  	_ =	shalt  }
0x4f: {  	_ =	shalt  }
0x50: {  	_ =	shalt  }
0x51: {  	_ =	shalt  }
0x52: {  	_ =	shalt  }
0x53: {  	_ =	shalt  }
0x54: {  	_ =	shalt  }
0x55: {  	_ =	shalt  }
0x56: {  	_ =	shalt  }
0x57: {  	_ =	shalt  }
0x58: {  	_ =	shalt  }
0x59: {  	_ =	shalt  }
0x5a: {  	_ =	shalt  }
0x5b: {  	_ =	shalt  }
0x5c: {  	_ =	shalt  }
0x5d: {  	_ =	shalt  }
0x5e: {  	_ =	shalt  }
0x5f: {  	_ =	shalt  }
0x60: {  	_ =	shalt  }
0x61: {  	_ =	shalt  }
0x62: {  	_ =	shalt  }
0x63: {  	_ =	shalt  }
0x64: {  	_ =	shalt  }
0x65: {  	_ =	shalt  }
0x66: {  	_ =	shalt  }
0x67: {  	_ =	shalt  }
0x68: {  	_ =	shalt  }
0x69: {  	_ =	shalt  }
0x6a: {  	_ =	shalt  }
0x6b: {  	_ =	shalt  }
0x6c: {  	_ =	shalt  }
0x6d: {  	_ =	shalt  }
0x6e: {  	_ =	shalt  }
0x6f: {  	_ =	shalt  }
0x70: {  	_ =	shalt  }
0x71: {  	_ =	shalt  }
0x72: {  	_ =	shalt  }
0x73: {  	_ =	shalt  }
0x74: {  	_ =	shalt  }
0x75: {  	_ =	shalt  }
0x76: {  	_ =	shalt  }
0x77: {  	_ =	shalt  }
0x78: {  	_ =	shalt  }
0x79: {  	_ =	shalt  }
0x7a: {  	_ =	shalt  }
0x7b: {  	_ =	shalt  }
0x7c: {  	_ =	shalt  }
0x7d: {  	_ =	shalt  }
0x7e: {  	_ =	shalt  }
0x7f: {  	_ =	shalt  }
0x80: {  	_ =	shalt  }
0x81: {  	_ =	shalt  }
0x82: {  	_ =	shalt  }
0x83: {  	_ =	shalt  }
0x84: {  	_ =	shalt  }
0x85: {  	_ =	shalt  }
0x86: {  	_ =	shalt  }
0x87: {  	_ =	shalt  }
.Lfunc_end0:
.L_simem_size_0:
called_computation_lowered:
.L_overlay_start_0:
0x88: {  	s2 =	sld [smem:$0x3FD9]  }
0x89: {  	s3 =	sld [smem:$0x3FFE];
	_ =	sdelay $0x1  }
0x8a: {  	s1 =	srdreg.scid  }
0x8b: {  	s0 =	sand.u32 $0x1, s1  }
0x8c: {  	s17 =	sshll.u32 s0, $0xA;
	s2 =	sadd.s32 s3, s2  }
0x8d: {  	s2 =	sadd.s32 s2, s17  }
0x8e: {  	[smem:$0x3FC6] =	sst s2  }
0x8f: {  	_ = 	snop  }
0x90: {  	s2 =	sld [smem:$0x3FC9]  }
0x91: {  	s18 =	sld [smem:$0x3FD0];
	(tm) =	ssettm $0x1  }
0x92: {  	s4 =	sld [smem:$0x3FFB];
	_ =	sdelay $0x3  }
0x93: {  	_ =	strace s4  }
0x94: {  	s4 =	sld [smem:$0x3FFC];
	_ =	sdelay $0x3  }
0x95: {  	_ =	strace s4  }
0x96: {  	s4 =	sld [smem:$0x3FFD];
	_ =	sdelay $0x3  }
0x97: {  	_ =	strace s4  }
0x98: {  	_ =	strace $0x8FFFFFFF  }
0x99: {  	s19 =	sld [smem:$0x3FDB];
	_ =	sdelay $0x1  }
0x9a: {  	s5 =	simm.s32 $_scs_section_size  }
0x9b: {  	s6 =	simm.s32 $_size__tile_overlayer_lowered;
	s7 =	simm.s32 $_tile_overlayer_lowered  }
0x9c: {  	s22 =	simm.s32 $0x1BFF;
	s21 =	sshll.u32 s7, $0x1;
	s4 =	sadd.s32 s5, s19  }
0x9d: {  	s8 =	simm.s32 $0x0;
	s20 =	sshll.u32 s6, $0x1;
	s6 =	sadd.s32 s21, s4  }
0x9e: {  	[timem:s8], [sflag:s22] =	dma.local [hbm:s6], s20  }
0x9f: {  	_ =	swait.ge [sflag:s22], s20  }
0xa0: {  	s5 =	ssub.s32 $0x0, s20;
	[sflag:s22] =	ssyncset.done $0x0  }
0xa1: {  	[sflag:s22] =	ssyncadd.s32 s5;
	_ =	sdelay $0x1  }
0xa2: {  	s23 =	simm.s32 $0x1B8B  }
0xa3: {  	_ =	swait.ge [sflag:s23], $0x1  }
0xa4: {  	[sflag:s23] =	ssyncset.done $0x0  }
0xa5: {  	s25 =	simm.s32 $0x1B8E;
	s24 =	sld [smem:$0x3FFE];
	[sflag:s23] =	ssyncadd.s32 $0xFFFFFFFF  }
0xa6: {  	s26 =	simm.s32 $execute0_lowered;
	[smem:$0x3FD2] =	sst s25  }
0xa7: {  	s6 =	sshll.u32 s26, $0x1;
	_ =	strace $0x80000046;
	[dreg:$0x1] =	wrdreg $0xFFFFFFFF  }
0xa8: {  	s28 =	simm.s32 $_size_execute0_lowered;
	s4 =	sadd.s32 s4, s6;
	[dreg:$0x0] =	wrdreg $0x0  }
0xa9: {  	s6 =	sshll.u32 s28, $0x1;
	[dreg:$0x2] =	wrdreg s4  }
0xaa: {  	[dreg:$0x3] =	wrdreg s6  }
0xab: {  	[dreg:$0x4] =	wrdreg $0xC0  }
0xac: {  	_ =	task [dreg:s8], $0x5FFFF  }
0xad: {  	[dreg:$0x1] =	wrdreg $0xFFFFFFFF  }
0xae: {  	[dreg:$0x0] =	wrdreg $0x60  }
0xaf: {  	[dreg:$0x2] =	wrdreg s2  }
0xb0: {  	[dreg:$0x3] =	wrdreg s24  }
0xb1: {  	[dreg:$0x4] =	wrdreg s18  }
0xb2: {  	[dreg:$0x5] =	wrdreg $0x9  }
0xb3: {  	_ =	task.clear_ibuf [dreg:s8], $0x6FFFF;
	_ =	strace $0x90000046  }
0xb4: {  	s29 =	simm.s32 $0x9;
	_ =	strace $0x80000048  }
0xb5: {  	_ =	swait.ge [sflag:s29], $0x1  }
0xb6: {  	[sflag:s29] =	ssyncadd.s32 $0xFFFFFFFF  }
0xb7: {  	_ =	strace $0x90000048  }
0xb8: {  	_ =	sfence  }
0xb9: {  	s30 =	sld [smem:$0x0];
	_ =	sdelay $0x2  }
0xba: {  	s31 =	sshll.u32 s1, $0xD;
	s1 =	sshrl.u32 s1, $0x2  }
0xbb: {  	s3 =	sand.u32 $0x4000, s31;
	s1 =	sadd.s32 s1, s30  }
0xbc: {  	s0 =	sor.u32 s3, s0;
	s1 =	sshll.u32 s1, $0x11  }
0xbd: {  	s0 =	sor.u32 s1, s0  }
0xbe: {  	s0 =	sadd.s32 $0x8F2B, s0  }
0xbf: {  	[sflag:s0] =	ssyncadd.remote.s32 $0x1  }
0xc0: {  	_ =	sfence.sel $0xFFFF  }
0xc1: {  	[dreg:$0x0] =	wrdreg $0xFFFFFFFF;
	(pc) =	sbr.abs _section_cstart, $3  }
0xc2: {  	[dreg:$0x1] =	wrdreg $0xFFFFFFFF  }
0xc3: {  	_ =	task.clear_ibuf [dreg:s8], $0x2FFFF;
	_ =	strace $0x9FFFFFFF  }
0xc4: {  	(tm) =	ssettm $0x7FFFFFFF  }
0xc5: {  	_ =	shalt  }
tec
execute0_lowered:
.L_overlay_start_1:
0x0: {  	(tag) =	ssettag $0x1  }
0x1: {  	s0 =	rddreg [dreg:$0x0]  }
0x2: {  	s1 =	rddreg [dreg:$0x1];
	s3 =	srdreg.scid  }
0x3: {  	s2 =	rddreg [dreg:$0x2];
	s7 =	stileid.u32;
	s9 =	simm.s32 $0x80  }
0x4: {  	s14 =	simm.s32 $0x180;
	s15 =	simm.s32 $0x4400;
	s16 =	simm.s32 $0x20  }
0x5: {  	s17 =	simm.s32 $0x9;
	s18 =	simm.s32 $0xA;
	s19 =	simm.s32 $0xB  }
0x6: {  	s20 =	simm.s32 $0xC;
	s21 =	simm.s32 $0xD;
	s22 =	simm.s32 $0xE  }
0x7: {  	s23 =	simm.s32 $0xF;
	s24 =	simm.s32 $0x10;
	s4 =	sand.u32 $0x1, s3  }
0x8: {  	s25 =	simm.s32 $0x0;
	s3 =	simm.s32 $0x0;
	s5 =	sshll.u32 s4, $0x4  }
0x9: {  	s6 =	ssub.s32 $0x2, s4;
	[smem:$0x7FF] =	sst s3;
	s7 =	sor.u32 s7, s5  }
0xa: {  	s4 =	sadd.s32 $0x186E00, s1;
	s30 =	sshrl.u32 s6, $0x1;
	s8 =	smul.u32 $0x280, s7  }
0xb: {  	_ =	strace $0x80000047;
	s31 =	ssub.s32 s6, s30;
	s6 =	smul.u32 $0x28000, s7  }
0xc: {  	s7 =	smax.u32 s31, $0x1;
	s5 =	sadd.s32 s0, s8;
	s8 =	simm.s32 $0x11  }
.LBB2_1:
0xd: {  	[tilespmem:s3], [sflag:$0x11] =	stream.linear.gather [hbm4b:s5+s3], $0x1400, $0x38;
	[tilespmem:$0x9400] =	vst v63  }
0xe: {  	s0 =	simm.s32 $0x1400  }
0xf: {  	s10 =	simm.s32 $0x2400;
	s11 =	simm.s32 $0x100;
	_ =	swait.ge [sflag:s8], $0x1400  }
0x10: {  	s1 =	simm.s32 $0x3400;
	s26 =	simm.s32 $0x200;
	[sflag:s8] =	ssyncset.done $0x0  }
0x11: {  	s28 =	simm.s32 $0x1;
	p0 =	por $0x0, $0x0;
	[sflag:s8] =	ssyncadd.s32 $0xFFFFEC00  }
0x12: {  	[tilespmem:s0], [sflag:$0x1] =	stream.indirect.gather [hbm4b:s4+s9], $0x20, s3, s9, $0xb8;
	[tilespmem:$0x9400] =	vst v63  }
0x13: {  	s12 =	simm.s32 $0x4;
	s29 =	simm.s32 $0x1000;
	p1 =	por @!p0 $0x1, $0x1  }
0x14: {  	[tilespmem:s10], [sflag:$0x2] =	stream.indirect.gather [hbm4b:s4+s9], $0x20, s9, s9, $0xb8;
	[tilespmem:$0x9400] =	vst v63  }
0x15: {  	s30 =	simm.s32 $0x20;
	s31 =	sand.u32 $0x7, s12;
	p2 =	por p1, p0  }
0x16: {  	[tilespmem:s1], [sflag:$0x3] =	stream.indirect.gather [hbm4b:s4+s9], $0x20, s11, s9, $0xb8;
	[tilespmem:$0x9400] =	vst v63  }
0x17: {  	s0 =	sand.u32 $0x60, s3;
	s10 =	sand.u32 $0x7, s3;
	s11 =	sand.u32 $0x3C000, s3  }
0x18: {  	s13 =	sadd.s32 $0x1, s10;
	s12 =	sshll.u32 s10, $0xC;
	s11 =	sadd.s32 s6, s11  }
0x19: {  	[tilespmem:s15], [sflag:$0x4] =	stream.indirect.gather [hbm4b:s4+s9], $0x20, s14, s9, $0xb8;
	[tilespmem:$0x9400] =	vst v63  }
0x1a: {  	s10 =	sadd.s32 $0x9, s10;
	s0 =	sor.u32 s0, s11;
	_ =	swait.ge [sflag:s13], $0x1000  }
0x1b: {  	s1 =	sadd.s32 @!p2 $0x9, s31;
	s0 =	sshrl.u32 s0, $0x3;
	[sflag:s13] =	ssyncset.done $0x0  }
0x1c: {  	s0 =	sadd.s32 s2, s0;
	[sflag:s13] =	ssyncadd.s32 $0xFFFFF000;
	s13 =	sadd.s32 $0x1400, s12  }
0x1d: {  	[hbm4b:s0+s16] =	stream.strided.scatter [tilespmem:s13], [sflag:s10], $0x1000, s9, s16, $0x38;
	[tilespmem:$0x9400] =	vst v63  }
0x1e: {  	s11 =	simm.s32 @!p0 $0x80;
	s0 =	sshll.u32 @!p0 s31, $0xC;
	s10 =	sadd.s32 @!p0 $0x1, s31  }
0x1f: {  	s31 =	simm.s32 $0x200;
	s0 =	sadd.s32 @!p0 $0x1400, s0;
	_ =	swait.ge @!p2 [sflag:s1], $0x1000  }
.LBB2_2:
0x20: {  	[sflag:s1] =	ssyncset.done @!p2 $0x0  }
0x21: {  	s26 =	sadd.s32 $0x80, s26;
	s12 =	smov.u32 s28;
	s28 =	sadd.s32 $0x1, s28  }
0x22: {  	p1 =	sne.s32 s28, $0x28;
	[sflag:s1] =	ssyncadd.s32 @!p2 $0xFFFFF000  }
0x23: {  	[tilespmem:s0], [sflag:s10] =	stream.indirect.gather @!p0 [hbm4b:s4+s11], $0x20, s31, s11, $0xb8;
	[tilespmem:$0x9400] =	vst v63  }
0x24: {  	s31 =	smov.u32 s26  }
0x25: {  	s1 =	sadd.s32 $0x4, s12  }
0x26: {  	s0 =	sand.u32 $0x60, s30;
	p0 =	sgt.u32 s12, $0x23;
	s11 =	sand.u32 $0x3C000, s29  }
0x27: {  	s10 =	sand.u32 $0x7, s12;
	s13 =	sand.u32 $0x7, s1;
	s11 =	sadd.s32 s6, s11  }
0x28: {  	s1 =	sadd.s32 $0x1, s10;
	p2 =	slt.u32 @!p0 s12, $0x4;
	s0 =	sor.u32 s0, s11  }
0x29: {  	s11 =	sshll.u32 s10, $0xC;
	s0 =	sshrl.u32 s0, $0x3;
	_ =	swait.ge [sflag:s1], $0x1000  }
0x2a: {  	s10 =	sadd.s32 $0x9, s10;
	s0 =	sadd.s32 s2, s0;
	[sflag:s1] =	ssyncset.done $0x0  }
.Ltmp0:
0x2b: {  	[sflag:s1] =	ssyncadd.s32 $0xFFFFF000;
	s1 =	sadd.s32 $0x1400, s11;
	(pc) =	sbr.rel @p1 .LBB2_2-.Ltmp0, $4  }
0x2c: {  	s29 =	sadd.s32 $0x1000, s29;
	p2 =	por p2, p0;
	s11 =	sshll.u32 @!p0 s13, $0xC  }
0x2d: {  	[hbm4b:s0+s16] =	stream.strided.scatter [tilespmem:s1], [sflag:s10], $0x1000, s9, s16, $0x38;
	[tilespmem:$0x9400] =	vst v63  }
0x2e: {  	s30 =	sadd.s32 $0x20, s30;
	s1 =	sadd.s32 @!p2 $0x9, s13;
	s0 =	sadd.s32 @!p0 $0x1400, s11  }
0x2f: {  	s10 =	sadd.s32 @!p0 $0x1, s13;
	s11 =	simm.s32 @!p0 $0x80;
	_ =	swait.ge @!p2 [sflag:s1], $0x1000  }
0x30: {  	[sflag:s1] =	ssyncset.done @!p2 $0x0  }
0x31: {  	[sflag:s1] =	ssyncadd.s32 @!p2 $0xFFFFF000  }
0x32: {  	[tilespmem:s0], [sflag:s10] =	stream.indirect.gather @!p0 [hbm4b:s4+s11], $0x20, s31, s11, $0xb8;
	[tilespmem:$0x9400] =	vst v63  }
0x33: {  	_ =	swait.ge [sflag:s17], $0x1000  }
0x34: {  	[sflag:s17] =	ssyncset.done $0x0  }
0x35: {  	[sflag:s17] =	ssyncadd.s32 $0xFFFFF000  }
0x36: {  	_ =	swait.ge [sflag:s18], $0x1000  }
0x37: {  	[sflag:s18] =	ssyncset.done $0x0  }
0x38: {  	[sflag:s18] =	ssyncadd.s32 $0xFFFFF000  }
0x39: {  	_ =	swait.ge [sflag:s19], $0x1000  }
0x3a: {  	[sflag:s19] =	ssyncset.done $0x0  }
0x3b: {  	[sflag:s19] =	ssyncadd.s32 $0xFFFFF000  }
0x3c: {  	_ =	swait.ge [sflag:s20], $0x1000  }
0x3d: {  	[sflag:s20] =	ssyncset.done $0x0  }
0x3e: {  	[sflag:s20] =	ssyncadd.s32 $0xFFFFF000  }
0x3f: {  	_ =	swait.ge [sflag:s21], $0x1000  }
0x40: {  	[sflag:s21] =	ssyncset.done $0x0  }
0x41: {  	[sflag:s21] =	ssyncadd.s32 $0xFFFFF000  }
0x42: {  	_ =	swait.ge [sflag:s22], $0x1000  }
0x43: {  	[sflag:s22] =	ssyncset.done $0x0  }
0x44: {  	s25 =	sadd.s32 $0x1, s25;
	[sflag:s22] =	ssyncadd.s32 $0xFFFFF000  }
0x45: {  	p0 =	sne.s32 s25, s7;
	_ =	swait.ge [sflag:s23], $0x1000  }
.Ltmp1:
0x46: {  	[sflag:s23] =	ssyncset.done $0x0;
	(pc) =	sbr.rel @p0 .LBB2_1-.Ltmp1, $4  }
0x47: {  	[sflag:s23] =	ssyncadd.s32 $0xFFFFF000  }
0x48: {  	_ =	swait.ge [sflag:s24], $0x1000  }
0x49: {  	[sflag:s24] =	ssyncset.done $0x0  }
0x4a: {  	[sflag:s24] =	ssyncadd.s32 $0xFFFFF000  }
0x4b: {  	_ =	sfence.sel $0x180000  }
0x4c: {  	[bflag:$0x0] =	sbarrier.arrive $0xFFFF  }
0x4d: {  	_ =	strace $0x90000047  }
0x4e: {  	s0 =	stileid.u32;
	[bflag:$0x2] =	sbarrier.arrive $0xFFFF  }
0x4f: {  	p0 =	sne.s32 s0, $0x0;
	s0 =	rddreg [dreg:$0x3]  }
0x50: {  	s0 =	sadd.s32 @!p0 $0x100000, s0  }
0x51: {  	[sflag:s0] =	ssyncadd.tile.s32 @!p0 $0x1;
	_ =	shalt  }
.Lfunc_end2:
_tile_overlayer_lowered:
.L_overlay_start_2:
0x52: {  	(tag) =	ssettag $0x2  }
0x53: {  	s0 =	rddreg [dreg:$0x0];
	s2 =	stileid.u32  }
0x54: {  	s1 =	rddreg [dreg:$0x1];
	p0 =	sne.s32 s2, $0x0  }
0x55: {  	s3 =	rddreg [dreg:$0x2];
	[bflag:$0x3] =	sbarrier.arrive $0xFFFF;
	s2 =	simm.s32 @!p0 $0x1C11  }
0x56: {  	[timem:s3], [sflag:s2] =	dma.local @!p0 [hbm:s0], s1  }
0x57: {  	s0 =	simm.s32 @!p0 $0x11  }
0x58: {  	_ =	swait.ge @!p0 [sflag:s0], s1  }
0x59: {  	s1 =	ssub.s32 @!p0 $0x0, s1;
	[sflag:s0] =	ssyncset.done @!p0 $0x0  }
0x5a: {  	[sflag:s0] =	ssyncadd.s32 @!p0 s1  }
0x5b: {  	[bflag:$0x3] =	sbarrier.arrive $0xFFFF  }
0x5c: {  	_ =	shalt  }

</sc_bundles>
